<compile_context>
chip_gen: v7x
topology: tpu7x:2x2x1
jax: 0.10.2.dev20260603
libtpu: 0.0.44.dev20260713+nightly
codegen_flags: <defaults>
</compile_context>

<pallas_src>
import functools

import jax
import jax.numpy as jnp
from jax import lax
from jax.experimental import pallas as pl
from jax.experimental.pallas import tpu as pltpu
from jax.experimental.pallas import tpu_sc as plsc

_B, _T = 16, 160000
_NC, _NS = 2, 16
_NW = _NC * _NS
_PER = _B * _T // _NW

_K = 5
_CH = _PER // _K

_mesh = plsc.VectorSubcoreMesh(core_axis_name="c", subcore_axis_name="s")


@functools.partial(
    pl.kernel,
    out_type=jax.ShapeDtypeStruct((_B, _T), jnp.float32),
    mesh=_mesh,
    scratch_types=[
        pltpu.VMEM((_PER,), jnp.float32),
        pltpu.SemaphoreType.DMA((_K,)),
        pltpu.SemaphoreType.DMA((_K,)),
    ],
)
def _sc_copy(x_hbm, out_hbm, buf, insem, outsem):
    wid = lax.axis_index("s") * _NC + lax.axis_index("c")
    row = wid // 2
    col = (wid % 2) * _PER
    loads = [
        pltpu.async_copy(
            x_hbm.at[row, pl.ds(col + i * _CH, _CH)],
            buf.at[pl.ds(i * _CH, _CH)],
            insem.at[i],
        )
        for i in range(_K)
    ]
    stores = []
    for i in range(_K):
        loads[i].wait()
        stores.append(
            pltpu.async_copy(
                buf.at[pl.ds(i * _CH, _CH)],
                out_hbm.at[row, pl.ds(col + i * _CH, _CH)],
                outsem.at[i],
            )
        )
    for s in stores:
        s.wait()


def kernel(x):
    return _sc_copy(x)

# --- scband reference (transcript-rebuilt; emitter-appended) ---
"""Pipeline reference for scband-feature-extractor-15779709845725 (READ-ONLY COPY).

The authoritative reference and input builder live on the scoring server;
editing this copy changes nothing except your own understanding.
"""

import jax, jax.numpy as jnp
import numpy as np


def setup_inputs(seed: int = 0) -> dict:
    key = jax.random.key(seed)
    x = jax.random.normal(key, (16, 160000), dtype=jnp.float32)
    return {"x": x}


def reference(x):
    # Faithful translation of FeatureExtractor._wav2feature for a batched
    # tensor input: iterating over x yields 1-D rows of shape [T].
    # For a 1-D row: ndim != 2, shape[0] != 2, shape[0] != 4 (T is large),
    # so each row takes the `else` branch -> unsqueeze(0) -> [1, T].
    # pad_sequence(batch_first=True) over equal-length [1, T] tensors
    # produces [B, 1, T]; then [:, 0, :] -> [B, T].
    feats = []
    for i in range(x.shape[0]):
        audio = x[i]            # [T], ndim == 1
        audio = audio[None, :]  # unsqueeze(0) -> [1, T]
        feats.append(audio)
    padded = jnp.stack(feats, axis=0)  # [B, 1, T] (all same length, pad is no-op)
    return padded[:, 0, :]

if __name__ == "__main__":
    import jax
    _d = setup_inputs()
    print(jax.jit(kernel)(*tuple(_d.values())))

</pallas_src>

<mosaic_0001>
#map = affine_map<(d0, d1) -> (0, 0)>
module attributes {stable_mosaic.version = 14 : i64} {
  func.func @_sc_copy(%arg0: i32, %arg1: i32, %arg2: memref<16x160000xf32, #tpu.memory_space<hbm>>, %arg3: memref<16x160000xf32, #tpu.memory_space<hbm>>, %arg4: memref<80000xf32, #tpu.memory_space<vmem>>, %arg5: memref<5x!tpu.dma_semaphore, #tpu.memory_space<semaphore_mem>>, %arg6: memref<5x!tpu.dma_semaphore, #tpu.memory_space<semaphore_mem>>) attributes {dimension_semantics = [#tpu.dimension_semantics<core_parallel>, #tpu.dimension_semantics<subcore_parallel>], iteration_bounds = array<i64: 2, 16>, scalar_prefetch = 0 : i64, scratch_operands = 3 : i64, tpu.core_type = #tpu.core_type<sc_vector_subcore>, window_params = [{transform_indices = #map}, {transform_indices = #map}]} {
    %mul3A = arith.constant 2 : i32
    %mul3A_0 = arith.muli %arg1, %mul3A : i32
    %add3A = arith.addi %mul3A_0, %arg0 : i32
    %jit3A = arith.constant 2 : i32
    %div3A = arith.divsi %add3A, %jit3A : i32
    %sign3A = arith.constant 0 : i32
    %sign3A_1 = arith.cmpi sgt, %add3A, %sign3A : i32
    %sign3A_2 = arith.extui %sign3A_1 : i1 to i32
    %sign3A_3 = arith.constant 0 : i32
    %sign3A_4 = arith.cmpi slt, %add3A, %sign3A_3 : i32
    %sign3A_5 = arith.extui %sign3A_4 : i1 to i32
    %sign3A_6 = arith.subi %sign3A_2, %sign3A_5 : i32
    %sign3A_7 = arith.constant 0 : i32
    %sign3A_8 = arith.cmpi sgt, %jit3A, %sign3A_7 : i32
    %sign3A_9 = arith.extui %sign3A_8 : i1 to i32
    %sign3A_10 = arith.constant 0 : i32
    %sign3A_11 = arith.cmpi slt, %jit3A, %sign3A_10 : i32
    %sign3A_12 = arith.extui %sign3A_11 : i1 to i32
    %sign3A_13 = arith.subi %sign3A_9, %sign3A_12 : i32
    %ne3A = arith.cmpi ne, %sign3A_6, %sign3A_13 : i32
    %rem3A = arith.remsi %add3A, %jit3A : i32
    %ne3A_14 = arith.constant 0 : i32
    %ne3A_15 = arith.cmpi ne, %rem3A, %ne3A_14 : i32
    %and3A = arith.andi %ne3A, %ne3A_15 : i1
    %sub3A = arith.constant 1 : i32
    %sub3A_16 = arith.subi %div3A, %sub3A : i32
    %select_n3A = arith.select %and3A, %sub3A_16, %div3A : i32
    %jit3A_17 = arith.constant 2 : i32
    %eq3A = arith.constant 0 : i32
    %eq3A_18 = arith.cmpi eq, %jit3A_17, %eq3A : i32
    %jit3A_19 = arith.constant 1 : i32
    %select_n3A_20 = arith.select %eq3A_18, %jit3A_19, %jit3A_17 : i32
    %rem3A_21 = arith.remsi %add3A, %select_n3A_20 : i32
    %ne3A_22 = arith.constant 0 : i32
    %ne3A_23 = arith.cmpi ne, %rem3A_21, %ne3A_22 : i32
    %lt3A = arith.constant 0 : i32
    %lt3A_24 = arith.cmpi slt, %rem3A_21, %lt3A : i32
    %lt3A_25 = arith.constant 0 : i32
    %lt3A_26 = arith.cmpi slt, %select_n3A_20, %lt3A_25 : i32
    %ne3A_27 = arith.xori %lt3A_24, %lt3A_26 : i1
    %and3A_28 = arith.andi %ne3A_27, %ne3A_23 : i1
    %add3A_29 = arith.addi %rem3A_21, %select_n3A_20 : i32
    %select_n3A_30 = arith.select %and3A_28, %add3A_29, %rem3A_21 : i32
    %mul3A_31 = arith.constant 80000 : i32
    %mul3A_32 = arith.muli %select_n3A_30, %mul3A_31 : i32
    %add3A_33 = arith.constant 0 : i32
    %add3A_34 = arith.addi %mul3A_32, %add3A_33 : i32
    %dma_start3A = arith.constant 0 : i32
    %dma_start3A_35 = arith.constant 0 : i32
    %dma_start3A_36 = tpu.memref_slice %arg4[%dma_start3A_35] : memref<80000xf32, #tpu.memory_space<vmem>> -> memref<16000xf32, #tpu.memory_space<vmem>>
    %dma_start3A_37 = tpu.memref_slice %arg2[%select_n3A, %add3A_34] : memref<16x160000xf32, #tpu.memory_space<hbm>> -> memref<1x16000xf32, #tpu.memory_space<hbm>>
    %dma_start3A_38 = tpu.memref_squeeze %dma_start3A_37 : memref<1x16000xf32, #tpu.memory_space<hbm>> -> memref<16000xf32, #tpu.memory_space<hbm>>
    %dma_start3A_39 = tpu.memref_slice %arg5[%dma_start3A] : memref<5x!tpu.dma_semaphore, #tpu.memory_space<semaphore_mem>> -> memref<1x!tpu.dma_semaphore, #tpu.memory_space<semaphore_mem>>
    %dma_start3A_40 = tpu.memref_squeeze %dma_start3A_39 : memref<1x!tpu.dma_semaphore, #tpu.memory_space<semaphore_mem>> -> memref<!tpu.dma_semaphore, #tpu.memory_space<semaphore_mem>>
    %dma_start3A_41 = arith.constant 0 : i32
    %dma_start3A_42 = tpu.memref_slice %arg4[%dma_start3A_41] : memref<80000xf32, #tpu.memory_space<vmem>> -> memref<16000xf32, #tpu.memory_space<vmem>>
    %dma_start3A_43 = tpu.memref_slice %arg2[%select_n3A, %add3A_34] : memref<16x160000xf32, #tpu.memory_space<hbm>> -> memref<1x16000xf32, #tpu.memory_space<hbm>>
    %dma_start3A_44 = tpu.memref_squeeze %dma_start3A_43 : memref<1x16000xf32, #tpu.memory_space<hbm>> -> memref<16000xf32, #tpu.memory_space<hbm>>
    tpu.enqueue_dma source(%dma_start3A_44 : memref<16000xf32, #tpu.memory_space<hbm>>) target(%dma_start3A_42 : memref<16000xf32, #tpu.memory_space<vmem>>) target_semaphore(%dma_start3A_40 : memref<!tpu.dma_semaphore, #tpu.memory_space<semaphore_mem>>)
    %add3A_45 = arith.constant 16000 : i32
    %add3A_46 = arith.addi %mul3A_32, %add3A_45 : i32
    %dma_start3A_47 = arith.constant 1 : i32
    %dma_start3A_48 = arith.constant 16000 : i32
    %dma_start3A_49 = tpu.memref_slice %arg4[%dma_start3A_48] : memref<80000xf32, #tpu.memory_space<vmem>> -> memref<16000xf32, #tpu.memory_space<vmem>>
    %dma_start3A_50 = tpu.memref_slice %arg2[%select_n3A, %add3A_46] : memref<16x160000xf32, #tpu.memory_space<hbm>> -> memref<1x16000xf32, #tpu.memory_space<hbm>>
    %dma_start3A_51 = tpu.memref_squeeze %dma_start3A_50 : memref<1x16000xf32, #tpu.memory_space<hbm>> -> memref<16000xf32, #tpu.memory_space<hbm>>
    %dma_start3A_52 = tpu.memref_slice %arg5[%dma_start3A_47] : memref<5x!tpu.dma_semaphore, #tpu.memory_space<semaphore_mem>> -> memref<1x!tpu.dma_semaphore, #tpu.memory_space<semaphore_mem>>
    %dma_start3A_53 = tpu.memref_squeeze %dma_start3A_52 : memref<1x!tpu.dma_semaphore, #tpu.memory_space<semaphore_mem>> -> memref<!tpu.dma_semaphore, #tpu.memory_space<semaphore_mem>>
    %dma_start3A_54 = arith.constant 16000 : i32
    %dma_start3A_55 = tpu.memref_slice %arg4[%dma_start3A_54] : memref<80000xf32, #tpu.memory_space<vmem>> -> memref<16000xf32, #tpu.memory_space<vmem>>
    %dma_start3A_56 = tpu.memref_slice %arg2[%select_n3A, %add3A_46] : memref<16x160000xf32, #tpu.memory_space<hbm>> -> memref<1x16000xf32, #tpu.memory_space<hbm>>
    %dma_start3A_57 = tpu.memref_squeeze %dma_start3A_56 : memref<1x16000xf32, #tpu.memory_space<hbm>> -> memref<16000xf32, #tpu.memory_space<hbm>>
    tpu.enqueue_dma source(%dma_start3A_57 : memref<16000xf32, #tpu.memory_space<hbm>>) target(%dma_start3A_55 : memref<16000xf32, #tpu.memory_space<vmem>>) target_semaphore(%dma_start3A_53 : memref<!tpu.dma_semaphore, #tpu.memory_space<semaphore_mem>>)
    %add3A_58 = arith.constant 32000 : i32
    %add3A_59 = arith.addi %mul3A_32, %add3A_58 : i32
    %dma_start3A_60 = arith.constant 2 : i32
    %dma_start3A_61 = arith.constant 32000 : i32
    %dma_start3A_62 = tpu.memref_slice %arg4[%dma_start3A_61] : memref<80000xf32, #tpu.memory_space<vmem>> -> memref<16000xf32, #tpu.memory_space<vmem>>
    %dma_start3A_63 = tpu.memref_slice %arg2[%select_n3A, %add3A_59] : memref<16x160000xf32, #tpu.memory_space<hbm>> -> memref<1x16000xf32, #tpu.memory_space<hbm>>
    %dma_start3A_64 = tpu.memref_squeeze %dma_start3A_63 : memref<1x16000xf32, #tpu.memory_space<hbm>> -> memref<16000xf32, #tpu.memory_space<hbm>>
    %dma_start3A_65 = tpu.memref_slice %arg5[%dma_start3A_60] : memref<5x!tpu.dma_semaphore, #tpu.memory_space<semaphore_mem>> -> memref<1x!tpu.dma_semaphore, #tpu.memory_space<semaphore_mem>>
    %dma_start3A_66 = tpu.memref_squeeze %dma_start3A_65 : memref<1x!tpu.dma_semaphore, #tpu.memory_space<semaphore_mem>> -> memref<!tpu.dma_semaphore, #tpu.memory_space<semaphore_mem>>
    %dma_start3A_67 = arith.constant 32000 : i32
    %dma_start3A_68 = tpu.memref_slice %arg4[%dma_start3A_67] : memref<80000xf32, #tpu.memory_space<vmem>> -> memref<16000xf32, #tpu.memory_space<vmem>>
    %dma_start3A_69 = tpu.memref_slice %arg2[%select_n3A, %add3A_59] : memref<16x160000xf32, #tpu.memory_space<hbm>> -> memref<1x16000xf32, #tpu.memory_space<hbm>>
    %dma_start3A_70 = tpu.memref_squeeze %dma_start3A_69 : memref<1x16000xf32, #tpu.memory_space<hbm>> -> memref<16000xf32, #tpu.memory_space<hbm>>
    tpu.enqueue_dma source(%dma_start3A_70 : memref<16000xf32, #tpu.memory_space<hbm>>) target(%dma_start3A_68 : memref<16000xf32, #tpu.memory_space<vmem>>) target_semaphore(%dma_start3A_66 : memref<!tpu.dma_semaphore, #tpu.memory_space<semaphore_mem>>)
    %add3A_71 = arith.constant 48000 : i32
    %add3A_72 = arith.addi %mul3A_32, %add3A_71 : i32
    %dma_start3A_73 = arith.constant 3 : i32
    %dma_start3A_74 = arith.constant 48000 : i32
    %dma_start3A_75 = tpu.memref_slice %arg4[%dma_start3A_74] : memref<80000xf32, #tpu.memory_space<vmem>> -> memref<16000xf32, #tpu.memory_space<vmem>>
    %dma_start3A_76 = tpu.memref_slice %arg2[%select_n3A, %add3A_72] : memref<16x160000xf32, #tpu.memory_space<hbm>> -> memref<1x16000xf32, #tpu.memory_space<hbm>>
    %dma_start3A_77 = tpu.memref_squeeze %dma_start3A_76 : memref<1x16000xf32, #tpu.memory_space<hbm>> -> memref<16000xf32, #tpu.memory_space<hbm>>
    %dma_start3A_78 = tpu.memref_slice %arg5[%dma_start3A_73] : memref<5x!tpu.dma_semaphore, #tpu.memory_space<semaphore_mem>> -> memref<1x!tpu.dma_semaphore, #tpu.memory_space<semaphore_mem>>
    %dma_start3A_79 = tpu.memref_squeeze %dma_start3A_78 : memref<1x!tpu.dma_semaphore, #tpu.memory_space<semaphore_mem>> -> memref<!tpu.dma_semaphore, #tpu.memory_space<semaphore_mem>>
    %dma_start3A_80 = arith.constant 48000 : i32
    %dma_start3A_81 = tpu.memref_slice %arg4[%dma_start3A_80] : memref<80000xf32, #tpu.memory_space<vmem>> -> memref<16000xf32, #tpu.memory_space<vmem>>
    %dma_start3A_82 = tpu.memref_slice %arg2[%select_n3A, %add3A_72] : memref<16x160000xf32, #tpu.memory_space<hbm>> -> memref<1x16000xf32, #tpu.memory_space<hbm>>
    %dma_start3A_83 = tpu.memref_squeeze %dma_start3A_82 : memref<1x16000xf32, #tpu.memory_space<hbm>> -> memref<16000xf32, #tpu.memory_space<hbm>>
    tpu.enqueue_dma source(%dma_start3A_83 : memref<16000xf32, #tpu.memory_space<hbm>>) target(%dma_start3A_81 : memref<16000xf32, #tpu.memory_space<vmem>>) target_semaphore(%dma_start3A_79 : memref<!tpu.dma_semaphore, #tpu.memory_space<semaphore_mem>>)
    %add3A_84 = arith.constant 64000 : i32
    %add3A_85 = arith.addi %mul3A_32, %add3A_84 : i32
    %dma_start3A_86 = arith.constant 4 : i32
    %dma_start3A_87 = arith.constant 64000 : i32
    %dma_start3A_88 = tpu.memref_slice %arg4[%dma_start3A_87] : memref<80000xf32, #tpu.memory_space<vmem>> -> memref<16000xf32, #tpu.memory_space<vmem>>
    %dma_start3A_89 = tpu.memref_slice %arg2[%select_n3A, %add3A_85] : memref<16x160000xf32, #tpu.memory_space<hbm>> -> memref<1x16000xf32, #tpu.memory_space<hbm>>
    %dma_start3A_90 = tpu.memref_squeeze %dma_start3A_89 : memref<1x16000xf32, #tpu.memory_space<hbm>> -> memref<16000xf32, #tpu.memory_space<hbm>>
    %dma_start3A_91 = tpu.memref_slice %arg5[%dma_start3A_86] : memref<5x!tpu.dma_semaphore, #tpu.memory_space<semaphore_mem>> -> memref<1x!tpu.dma_semaphore, #tpu.memory_space<semaphore_mem>>
    %dma_start3A_92 = tpu.memref_squeeze %dma_start3A_91 : memref<1x!tpu.dma_semaphore, #tpu.memory_space<semaphore_mem>> -> memref<!tpu.dma_semaphore, #tpu.memory_space<semaphore_mem>>
    %dma_start3A_93 = arith.constant 64000 : i32
    %dma_start3A_94 = tpu.memref_slice %arg4[%dma_start3A_93] : memref<80000xf32, #tpu.memory_space<vmem>> -> memref<16000xf32, #tpu.memory_space<vmem>>
    %dma_start3A_95 = tpu.memref_slice %arg2[%select_n3A, %add3A_85] : memref<16x160000xf32, #tpu.memory_space<hbm>> -> memref<1x16000xf32, #tpu.memory_space<hbm>>
    %dma_start3A_96 = tpu.memref_squeeze %dma_start3A_95 : memref<1x16000xf32, #tpu.memory_space<hbm>> -> memref<16000xf32, #tpu.memory_space<hbm>>
    tpu.enqueue_dma source(%dma_start3A_96 : memref<16000xf32, #tpu.memory_space<hbm>>) target(%dma_start3A_94 : memref<16000xf32, #tpu.memory_space<vmem>>) target_semaphore(%dma_start3A_92 : memref<!tpu.dma_semaphore, #tpu.memory_space<semaphore_mem>>)
    %dma_wait3A = arith.constant 0 : i32
    %dma_wait3A_97 = arith.constant 0 : i32
    %dma_wait3A_98 = tpu.memref_slice %arg4[%dma_wait3A_97] : memref<80000xf32, #tpu.memory_space<vmem>> -> memref<16000xf32, #tpu.memory_space<vmem>>
    %dma_wait3A_99 = tpu.memref_slice %arg2[%select_n3A, %add3A_34] : memref<16x160000xf32, #tpu.memory_space<hbm>> -> memref<1x16000xf32, #tpu.memory_space<hbm>>
    %dma_wait3A_100 = tpu.memref_squeeze %dma_wait3A_99 : memref<1x16000xf32, #tpu.memory_space<hbm>> -> memref<16000xf32, #tpu.memory_space<hbm>>
    %dma_wait3A_101 = tpu.memref_slice %arg5[%dma_wait3A] : memref<5x!tpu.dma_semaphore, #tpu.memory_space<semaphore_mem>> -> memref<1x!tpu.dma_semaphore, #tpu.memory_space<semaphore_mem>>
    %dma_wait3A_102 = tpu.memref_squeeze %dma_wait3A_101 : memref<1x!tpu.dma_semaphore, #tpu.memory_space<semaphore_mem>> -> memref<!tpu.dma_semaphore, #tpu.memory_space<semaphore_mem>>
    %dma_wait3A_103 = arith.constant 0 : i32
    %dma_wait3A_104 = tpu.memref_slice %arg4[%dma_wait3A_103] : memref<80000xf32, #tpu.memory_space<vmem>> -> memref<16000xf32, #tpu.memory_space<vmem>>
    %dma_wait3A_105 = tpu.memref_slice %arg2[%select_n3A, %add3A_34] : memref<16x160000xf32, #tpu.memory_space<hbm>> -> memref<1x16000xf32, #tpu.memory_space<hbm>>
    %dma_wait3A_106 = tpu.memref_squeeze %dma_wait3A_105 : memref<1x16000xf32, #tpu.memory_space<hbm>> -> memref<16000xf32, #tpu.memory_space<hbm>>
    tpu.wait_dma2 semaphore(%dma_wait3A_102 : memref<!tpu.dma_semaphore, #tpu.memory_space<semaphore_mem>>) src(%dma_wait3A_106 : memref<16000xf32, #tpu.memory_space<hbm>>) dst(%dma_wait3A_104 : memref<16000xf32, #tpu.memory_space<vmem>>)
    %add3A_107 = arith.constant 0 : i32
    %add3A_108 = arith.addi %mul3A_32, %add3A_107 : i32
    %dma_start3A_109 = arith.constant 0 : i32
    %dma_start3A_110 = arith.constant 0 : i32
    %dma_start3A_111 = tpu.memref_slice %arg4[%dma_start3A_110] : memref<80000xf32, #tpu.memory_space<vmem>> -> memref<16000xf32, #tpu.memory_space<vmem>>
    %dma_start3A_112 = tpu.memref_slice %arg3[%select_n3A, %add3A_108] : memref<16x160000xf32, #tpu.memory_space<hbm>> -> memref<1x16000xf32, #tpu.memory_space<hbm>>
    %dma_start3A_113 = tpu.memref_squeeze %dma_start3A_112 : memref<1x16000xf32, #tpu.memory_space<hbm>> -> memref<16000xf32, #tpu.memory_space<hbm>>
    %dma_start3A_114 = tpu.memref_slice %arg6[%dma_start3A_109] : memref<5x!tpu.dma_semaphore, #tpu.memory_space<semaphore_mem>> -> memref<1x!tpu.dma_semaphore, #tpu.memory_space<semaphore_mem>>
    %dma_start3A_115 = tpu.memref_squeeze %dma_start3A_114 : memref<1x!tpu.dma_semaphore, #tpu.memory_space<semaphore_mem>> -> memref<!tpu.dma_semaphore, #tpu.memory_space<semaphore_mem>>
    %dma_start3A_116 = tpu.memref_slice %arg3[%select_n3A, %add3A_108] : memref<16x160000xf32, #tpu.memory_space<hbm>> -> memref<1x16000xf32, #tpu.memory_space<hbm>>
    %dma_start3A_117 = tpu.memref_squeeze %dma_start3A_116 : memref<1x16000xf32, #tpu.memory_space<hbm>> -> memref<16000xf32, #tpu.memory_space<hbm>>
    %dma_start3A_118 = arith.constant 0 : i32
    %dma_start3A_119 = tpu.memref_slice %arg4[%dma_start3A_118] : memref<80000xf32, #tpu.memory_space<vmem>> -> memref<16000xf32, #tpu.memory_space<vmem>>
    tpu.enqueue_dma source(%dma_start3A_119 : memref<16000xf32, #tpu.memory_space<vmem>>) target(%dma_start3A_117 : memref<16000xf32, #tpu.memory_space<hbm>>) target_semaphore(%dma_start3A_115 : memref<!tpu.dma_semaphore, #tpu.memory_space<semaphore_mem>>)
    %dma_wait3A_120 = arith.constant 1 : i32
    %dma_wait3A_121 = arith.constant 16000 : i32
    %dma_wait3A_122 = tpu.memref_slice %arg4[%dma_wait3A_121] : memref<80000xf32, #tpu.memory_space<vmem>> -> memref<16000xf32, #tpu.memory_space<vmem>>
    %dma_wait3A_123 = tpu.memref_slice %arg2[%select_n3A, %add3A_46] : memref<16x160000xf32, #tpu.memory_space<hbm>> -> memref<1x16000xf32, #tpu.memory_space<hbm>>
    %dma_wait3A_124 = tpu.memref_squeeze %dma_wait3A_123 : memref<1x16000xf32, #tpu.memory_space<hbm>> -> memref<16000xf32, #tpu.memory_space<hbm>>
    %dma_wait3A_125 = tpu.memref_slice %arg5[%dma_wait3A_120] : memref<5x!tpu.dma_semaphore, #tpu.memory_space<semaphore_mem>> -> memref<1x!tpu.dma_semaphore, #tpu.memory_space<semaphore_mem>>
    %dma_wait3A_126 = tpu.memref_squeeze %dma_wait3A_125 : memref<1x!tpu.dma_semaphore, #tpu.memory_space<semaphore_mem>> -> memref<!tpu.dma_semaphore, #tpu.memory_space<semaphore_mem>>
    %dma_wait3A_127 = arith.constant 16000 : i32
    %dma_wait3A_128 = tpu.memref_slice %arg4[%dma_wait3A_127] : memref<80000xf32, #tpu.memory_space<vmem>> -> memref<16000xf32, #tpu.memory_space<vmem>>
    %dma_wait3A_129 = tpu.memref_slice %arg2[%select_n3A, %add3A_46] : memref<16x160000xf32, #tpu.memory_space<hbm>> -> memref<1x16000xf32, #tpu.memory_space<hbm>>
    %dma_wait3A_130 = tpu.memref_squeeze %dma_wait3A_129 : memref<1x16000xf32, #tpu.memory_space<hbm>> -> memref<16000xf32, #tpu.memory_space<hbm>>
    tpu.wait_dma2 semaphore(%dma_wait3A_126 : memref<!tpu.dma_semaphore, #tpu.memory_space<semaphore_mem>>) src(%dma_wait3A_130 : memref<16000xf32, #tpu.memory_space<hbm>>) dst(%dma_wait3A_128 : memref<16000xf32, #tpu.memory_space<vmem>>)
    %add3A_131 = arith.constant 16000 : i32
    %add3A_132 = arith.addi %mul3A_32, %add3A_131 : i32
    %dma_start3A_133 = arith.constant 1 : i32
    %dma_start3A_134 = arith.constant 16000 : i32
    %dma_start3A_135 = tpu.memref_slice %arg4[%dma_start3A_134] : memref<80000xf32, #tpu.memory_space<vmem>> -> memref<16000xf32, #tpu.memory_space<vmem>>
    %dma_start3A_136 = tpu.memref_slice %arg3[%select_n3A, %add3A_132] : memref<16x160000xf32, #tpu.memory_space<hbm>> -> memref<1x16000xf32, #tpu.memory_space<hbm>>
    %dma_start3A_137 = tpu.memref_squeeze %dma_start3A_136 : memref<1x16000xf32, #tpu.memory_space<hbm>> -> memref<16000xf32, #tpu.memory_space<hbm>>
    %dma_start3A_138 = tpu.memref_slice %arg6[%dma_start3A_133] : memref<5x!tpu.dma_semaphore, #tpu.memory_space<semaphore_mem>> -> memref<1x!tpu.dma_semaphore, #tpu.memory_space<semaphore_mem>>
    %dma_start3A_139 = tpu.memref_squeeze %dma_start3A_138 : memref<1x!tpu.dma_semaphore, #tpu.memory_space<semaphore_mem>> -> memref<!tpu.dma_semaphore, #tpu.memory_space<semaphore_mem>>
    %dma_start3A_140 = tpu.memref_slice %arg3[%select_n3A, %add3A_132] : memref<16x160000xf32, #tpu.memory_space<hbm>> -> memref<1x16000xf32, #tpu.memory_space<hbm>>
    %dma_start3A_141 = tpu.memref_squeeze %dma_start3A_140 : memref<1x16000xf32, #tpu.memory_space<hbm>> -> memref<16000xf32, #tpu.memory_space<hbm>>
    %dma_start3A_142 = arith.constant 16000 : i32
    %dma_start3A_143 = tpu.memref_slice %arg4[%dma_start3A_142] : memref<80000xf32, #tpu.memory_space<vmem>> -> memref<16000xf32, #tpu.memory_space<vmem>>
    tpu.enqueue_dma source(%dma_start3A_143 : memref<16000xf32, #tpu.memory_space<vmem>>) target(%dma_start3A_141 : memref<16000xf32, #tpu.memory_space<hbm>>) target_semaphore(%dma_start3A_139 : memref<!tpu.dma_semaphore, #tpu.memory_space<semaphore_mem>>)
    %dma_wait3A_144 = arith.constant 2 : i32
    %dma_wait3A_145 = arith.constant 32000 : i32
    %dma_wait3A_146 = tpu.memref_slice %arg4[%dma_wait3A_145] : memref<80000xf32, #tpu.memory_space<vmem>> -> memref<16000xf32, #tpu.memory_space<vmem>>
    %dma_wait3A_147 = tpu.memref_slice %arg2[%select_n3A, %add3A_59] : memref<16x160000xf32, #tpu.memory_space<hbm>> -> memref<1x16000xf32, #tpu.memory_space<hbm>>
    %dma_wait3A_148 = tpu.memref_squeeze %dma_wait3A_147 : memref<1x16000xf32, #tpu.memory_space<hbm>> -> memref<16000xf32, #tpu.memory_space<hbm>>
    %dma_wait3A_149 = tpu.memref_slice %arg5[%dma_wait3A_144] : memref<5x!tpu.dma_semaphore, #tpu.memory_space<semaphore_mem>> -> memref<1x!tpu.dma_semaphore, #tpu.memory_space<semaphore_mem>>
    %dma_wait3A_150 = tpu.memref_squeeze %dma_wait3A_149 : memref<1x!tpu.dma_semaphore, #tpu.memory_space<semaphore_mem>> -> memref<!tpu.dma_semaphore, #tpu.memory_space<semaphore_mem>>
    %dma_wait3A_151 = arith.constant 32000 : i32
    %dma_wait3A_152 = tpu.memref_slice %arg4[%dma_wait3A_151] : memref<80000xf32, #tpu.memory_space<vmem>> -> memref<16000xf32, #tpu.memory_space<vmem>>
    %dma_wait3A_153 = tpu.memref_slice %arg2[%select_n3A, %add3A_59] : memref<16x160000xf32, #tpu.memory_space<hbm>> -> memref<1x16000xf32, #tpu.memory_space<hbm>>
    %dma_wait3A_154 = tpu.memref_squeeze %dma_wait3A_153 : memref<1x16000xf32, #tpu.memory_space<hbm>> -> memref<16000xf32, #tpu.memory_space<hbm>>
    tpu.wait_dma2 semaphore(%dma_wait3A_150 : memref<!tpu.dma_semaphore, #tpu.memory_space<semaphore_mem>>) src(%dma_wait3A_154 : memref<16000xf32, #tpu.memory_space<hbm>>) dst(%dma_wait3A_152 : memref<16000xf32, #tpu.memory_space<vmem>>)
    %add3A_155 = arith.constant 32000 : i32
    %add3A_156 = arith.addi %mul3A_32, %add3A_155 : i32
    %dma_start3A_157 = arith.constant 2 : i32
    %dma_start3A_158 = arith.constant 32000 : i32
    %dma_start3A_159 = tpu.memref_slice %arg4[%dma_start3A_158] : memref<80000xf32, #tpu.memory_space<vmem>> -> memref<16000xf32, #tpu.memory_space<vmem>>
    %dma_start3A_160 = tpu.memref_slice %arg3[%select_n3A, %add3A_156] : memref<16x160000xf32, #tpu.memory_space<hbm>> -> memref<1x16000xf32, #tpu.memory_space<hbm>>
    %dma_start3A_161 = tpu.memref_squeeze %dma_start3A_160 : memref<1x16000xf32, #tpu.memory_space<hbm>> -> memref<16000xf32, #tpu.memory_space<hbm>>
    %dma_start3A_162 = tpu.memref_slice %arg6[%dma_start3A_157] : memref<5x!tpu.dma_semaphore, #tpu.memory_space<semaphore_mem>> -> memref<1x!tpu.dma_semaphore, #tpu.memory_space<semaphore_mem>>
    %dma_start3A_163 = tpu.memref_squeeze %dma_start3A_162 : memref<1x!tpu.dma_semaphore, #tpu.memory_space<semaphore_mem>> -> memref<!tpu.dma_semaphore, #tpu.memory_space<semaphore_mem>>
    %dma_start3A_164 = tpu.memref_slice %arg3[%select_n3A, %add3A_156] : memref<16x160000xf32, #tpu.memory_space<hbm>> -> memref<1x16000xf32, #tpu.memory_space<hbm>>
    %dma_start3A_165 = tpu.memref_squeeze %dma_start3A_164 : memref<1x16000xf32, #tpu.memory_space<hbm>> -> memref<16000xf32, #tpu.memory_space<hbm>>
    %dma_start3A_166 = arith.constant 32000 : i32
    %dma_start3A_167 = tpu.memref_slice %arg4[%dma_start3A_166] : memref<80000xf32, #tpu.memory_space<vmem>> -> memref<16000xf32, #tpu.memory_space<vmem>>
    tpu.enqueue_dma source(%dma_start3A_167 : memref<16000xf32, #tpu.memory_space<vmem>>) target(%dma_start3A_165 : memref<16000xf32, #tpu.memory_space<hbm>>) target_semaphore(%dma_start3A_163 : memref<!tpu.dma_semaphore, #tpu.memory_space<semaphore_mem>>)
    %dma_wait3A_168 = arith.constant 3 : i32
    %dma_wait3A_169 = arith.constant 48000 : i32
    %dma_wait3A_170 = tpu.memref_slice %arg4[%dma_wait3A_169] : memref<80000xf32, #tpu.memory_space<vmem>> -> memref<16000xf32, #tpu.memory_space<vmem>>
    %dma_wait3A_171 = tpu.memref_slice %arg2[%select_n3A, %add3A_72] : memref<16x160000xf32, #tpu.memory_space<hbm>> -> memref<1x16000xf32, #tpu.memory_space<hbm>>
    %dma_wait3A_172 = tpu.memref_squeeze %dma_wait3A_171 : memref<1x16000xf32, #tpu.memory_space<hbm>> -> memref<16000xf32, #tpu.memory_space<hbm>>
    %dma_wait3A_173 = tpu.memref_slice %arg5[%dma_wait3A_168] : memref<5x!tpu.dma_semaphore, #tpu.memory_space<semaphore_mem>> -> memref<1x!tpu.dma_semaphore, #tpu.memory_space<semaphore_mem>>
    %dma_wait3A_174 = tpu.memref_squeeze %dma_wait3A_173 : memref<1x!tpu.dma_semaphore, #tpu.memory_space<semaphore_mem>> -> memref<!tpu.dma_semaphore, #tpu.memory_space<semaphore_mem>>
    %dma_wait3A_175 = arith.constant 48000 : i32
    %dma_wait3A_176 = tpu.memref_slice %arg4[%dma_wait3A_175] : memref<80000xf32, #tpu.memory_space<vmem>> -> memref<16000xf32, #tpu.memory_space<vmem>>
    %dma_wait3A_177 = tpu.memref_slice %arg2[%select_n3A, %add3A_72] : memref<16x160000xf32, #tpu.memory_space<hbm>> -> memref<1x16000xf32, #tpu.memory_space<hbm>>
    %dma_wait3A_178 = tpu.memref_squeeze %dma_wait3A_177 : memref<1x16000xf32, #tpu.memory_space<hbm>> -> memref<16000xf32, #tpu.memory_space<hbm>>
    tpu.wait_dma2 semaphore(%dma_wait3A_174 : memref<!tpu.dma_semaphore, #tpu.memory_space<semaphore_mem>>) src(%dma_wait3A_178 : memref<16000xf32, #tpu.memory_space<hbm>>) dst(%dma_wait3A_176 : memref<16000xf32, #tpu.memory_space<vmem>>)
    %add3A_179 = arith.constant 48000 : i32
    %add3A_180 = arith.addi %mul3A_32, %add3A_179 : i32
    %dma_start3A_181 = arith.constant 3 : i32
    %dma_start3A_182 = arith.constant 48000 : i32
    %dma_start3A_183 = tpu.memref_slice %arg4[%dma_start3A_182] : memref<80000xf32, #tpu.memory_space<vmem>> -> memref<16000xf32, #tpu.memory_space<vmem>>
    %dma_start3A_184 = tpu.memref_slice %arg3[%select_n3A, %add3A_180] : memref<16x160000xf32, #tpu.memory_space<hbm>> -> memref<1x16000xf32, #tpu.memory_space<hbm>>
    %dma_start3A_185 = tpu.memref_squeeze %dma_start3A_184 : memref<1x16000xf32, #tpu.memory_space<hbm>> -> memref<16000xf32, #tpu.memory_space<hbm>>
    %dma_start3A_186 = tpu.memref_slice %arg6[%dma_start3A_181] : memref<5x!tpu.dma_semaphore, #tpu.memory_space<semaphore_mem>> -> memref<1x!tpu.dma_semaphore, #tpu.memory_space<semaphore_mem>>
    %dma_start3A_187 = tpu.memref_squeeze %dma_start3A_186 : memref<1x!tpu.dma_semaphore, #tpu.memory_space<semaphore_mem>> -> memref<!tpu.dma_semaphore, #tpu.memory_space<semaphore_mem>>
    %dma_start3A_188 = tpu.memref_slice %arg3[%select_n3A, %add3A_180] : memref<16x160000xf32, #tpu.memory_space<hbm>> -> memref<1x16000xf32, #tpu.memory_space<hbm>>
    %dma_start3A_189 = tpu.memref_squeeze %dma_start3A_188 : memref<1x16000xf32, #tpu.memory_space<hbm>> -> memref<16000xf32, #tpu.memory_space<hbm>>
    %dma_start3A_190 = arith.constant 48000 : i32
    %dma_start3A_191 = tpu.memref_slice %arg4[%dma_start3A_190] : memref<80000xf32, #tpu.memory_space<vmem>> -> memref<16000xf32, #tpu.memory_space<vmem>>
    tpu.enqueue_dma source(%dma_start3A_191 : memref<16000xf32, #tpu.memory_space<vmem>>) target(%dma_start3A_189 : memref<16000xf32, #tpu.memory_space<hbm>>) target_semaphore(%dma_start3A_187 : memref<!tpu.dma_semaphore, #tpu.memory_space<semaphore_mem>>)
    %dma_wait3A_192 = arith.constant 4 : i32
    %dma_wait3A_193 = arith.constant 64000 : i32
    %dma_wait3A_194 = tpu.memref_slice %arg4[%dma_wait3A_193] : memref<80000xf32, #tpu.memory_space<vmem>> -> memref<16000xf32, #tpu.memory_space<vmem>>
    %dma_wait3A_195 = tpu.memref_slice %arg2[%select_n3A, %add3A_85] : memref<16x160000xf32, #tpu.memory_space<hbm>> -> memref<1x16000xf32, #tpu.memory_space<hbm>>
    %dma_wait3A_196 = tpu.memref_squeeze %dma_wait3A_195 : memref<1x16000xf32, #tpu.memory_space<hbm>> -> memref<16000xf32, #tpu.memory_space<hbm>>
    %dma_wait3A_197 = tpu.memref_slice %arg5[%dma_wait3A_192] : memref<5x!tpu.dma_semaphore, #tpu.memory_space<semaphore_mem>> -> memref<1x!tpu.dma_semaphore, #tpu.memory_space<semaphore_mem>>
    %dma_wait3A_198 = tpu.memref_squeeze %dma_wait3A_197 : memref<1x!tpu.dma_semaphore, #tpu.memory_space<semaphore_mem>> -> memref<!tpu.dma_semaphore, #tpu.memory_space<semaphore_mem>>
    %dma_wait3A_199 = arith.constant 64000 : i32
    %dma_wait3A_200 = tpu.memref_slice %arg4[%dma_wait3A_199] : memref<80000xf32, #tpu.memory_space<vmem>> -> memref<16000xf32, #tpu.memory_space<vmem>>
    %dma_wait3A_201 = tpu.memref_slice %arg2[%select_n3A, %add3A_85] : memref<16x160000xf32, #tpu.memory_space<hbm>> -> memref<1x16000xf32, #tpu.memory_space<hbm>>
    %dma_wait3A_202 = tpu.memref_squeeze %dma_wait3A_201 : memref<1x16000xf32, #tpu.memory_space<hbm>> -> memref<16000xf32, #tpu.memory_space<hbm>>
    tpu.wait_dma2 semaphore(%dma_wait3A_198 : memref<!tpu.dma_semaphore, #tpu.memory_space<semaphore_mem>>) src(%dma_wait3A_202 : memref<16000xf32, #tpu.memory_space<hbm>>) dst(%dma_wait3A_200 : memref<16000xf32, #tpu.memory_space<vmem>>)
    %add3A_203 = arith.constant 64000 : i32
    %add3A_204 = arith.addi %mul3A_32, %add3A_203 : i32
    %dma_start3A_205 = arith.constant 4 : i32
    %dma_start3A_206 = arith.constant 64000 : i32
    %dma_start3A_207 = tpu.memref_slice %arg4[%dma_start3A_206] : memref<80000xf32, #tpu.memory_space<vmem>> -> memref<16000xf32, #tpu.memory_space<vmem>>
    %dma_start3A_208 = tpu.memref_slice %arg3[%select_n3A, %add3A_204] : memref<16x160000xf32, #tpu.memory_space<hbm>> -> memref<1x16000xf32, #tpu.memory_space<hbm>>
    %dma_start3A_209 = tpu.memref_squeeze %dma_start3A_208 : memref<1x16000xf32, #tpu.memory_space<hbm>> -> memref<16000xf32, #tpu.memory_space<hbm>>
    %dma_start3A_210 = tpu.memref_slice %arg6[%dma_start3A_205] : memref<5x!tpu.dma_semaphore, #tpu.memory_space<semaphore_mem>> -> memref<1x!tpu.dma_semaphore, #tpu.memory_space<semaphore_mem>>
    %dma_start3A_211 = tpu.memref_squeeze %dma_start3A_210 : memref<1x!tpu.dma_semaphore, #tpu.memory_space<semaphore_mem>> -> memref<!tpu.dma_semaphore, #tpu.memory_space<semaphore_mem>>
    %dma_start3A_212 = tpu.memref_slice %arg3[%select_n3A, %add3A_204] : memref<16x160000xf32, #tpu.memory_space<hbm>> -> memref<1x16000xf32, #tpu.memory_space<hbm>>
    %dma_start3A_213 = tpu.memref_squeeze %dma_start3A_212 : memref<1x16000xf32, #tpu.memory_space<hbm>> -> memref<16000xf32, #tpu.memory_space<hbm>>
    %dma_start3A_214 = arith.constant 64000 : i32
    %dma_start3A_215 = tpu.memref_slice %arg4[%dma_start3A_214] : memref<80000xf32, #tpu.memory_space<vmem>> -> memref<16000xf32, #tpu.memory_space<vmem>>
    tpu.enqueue_dma source(%dma_start3A_215 : memref<16000xf32, #tpu.memory_space<vmem>>) target(%dma_start3A_213 : memref<16000xf32, #tpu.memory_space<hbm>>) target_semaphore(%dma_start3A_211 : memref<!tpu.dma_semaphore, #tpu.memory_space<semaphore_mem>>)
    %dma_wait3A_216 = arith.constant 0 : i32
    %dma_wait3A_217 = arith.constant 0 : i32
    %dma_wait3A_218 = tpu.memref_slice %arg4[%dma_wait3A_217] : memref<80000xf32, #tpu.memory_space<vmem>> -> memref<16000xf32, #tpu.memory_space<vmem>>
    %dma_wait3A_219 = tpu.memref_slice %arg3[%select_n3A, %add3A_108] : memref<16x160000xf32, #tpu.memory_space<hbm>> -> memref<1x16000xf32, #tpu.memory_space<hbm>>
    %dma_wait3A_220 = tpu.memref_squeeze %dma_wait3A_219 : memref<1x16000xf32, #tpu.memory_space<hbm>> -> memref<16000xf32, #tpu.memory_space<hbm>>
    %dma_wait3A_221 = tpu.memref_slice %arg6[%dma_wait3A_216] : memref<5x!tpu.dma_semaphore, #tpu.memory_space<semaphore_mem>> -> memref<1x!tpu.dma_semaphore, #tpu.memory_space<semaphore_mem>>
    %dma_wait3A_222 = tpu.memref_squeeze %dma_wait3A_221 : memref<1x!tpu.dma_semaphore, #tpu.memory_space<semaphore_mem>> -> memref<!tpu.dma_semaphore, #tpu.memory_space<semaphore_mem>>
    %dma_wait3A_223 = tpu.memref_slice %arg3[%select_n3A, %add3A_108] : memref<16x160000xf32, #tpu.memory_space<hbm>> -> memref<1x16000xf32, #tpu.memory_space<hbm>>
    %dma_wait3A_224 = tpu.memref_squeeze %dma_wait3A_223 : memref<1x16000xf32, #tpu.memory_space<hbm>> -> memref<16000xf32, #tpu.memory_space<hbm>>
    %dma_wait3A_225 = arith.constant 0 : i32
    %dma_wait3A_226 = tpu.memref_slice %arg4[%dma_wait3A_225] : memref<80000xf32, #tpu.memory_space<vmem>> -> memref<16000xf32, #tpu.memory_space<vmem>>
    tpu.wait_dma2 semaphore(%dma_wait3A_222 : memref<!tpu.dma_semaphore, #tpu.memory_space<semaphore_mem>>) src(%dma_wait3A_226 : memref<16000xf32, #tpu.memory_space<vmem>>) dst(%dma_wait3A_224 : memref<16000xf32, #tpu.memory_space<hbm>>)
    %dma_wait3A_227 = arith.constant 1 : i32
    %dma_wait3A_228 = arith.constant 16000 : i32
    %dma_wait3A_229 = tpu.memref_slice %arg4[%dma_wait3A_228] : memref<80000xf32, #tpu.memory_space<vmem>> -> memref<16000xf32, #tpu.memory_space<vmem>>
    %dma_wait3A_230 = tpu.memref_slice %arg3[%select_n3A, %add3A_132] : memref<16x160000xf32, #tpu.memory_space<hbm>> -> memref<1x16000xf32, #tpu.memory_space<hbm>>
    %dma_wait3A_231 = tpu.memref_squeeze %dma_wait3A_230 : memref<1x16000xf32, #tpu.memory_space<hbm>> -> memref<16000xf32, #tpu.memory_space<hbm>>
    %dma_wait3A_232 = tpu.memref_slice %arg6[%dma_wait3A_227] : memref<5x!tpu.dma_semaphore, #tpu.memory_space<semaphore_mem>> -> memref<1x!tpu.dma_semaphore, #tpu.memory_space<semaphore_mem>>
    %dma_wait3A_233 = tpu.memref_squeeze %dma_wait3A_232 : memref<1x!tpu.dma_semaphore, #tpu.memory_space<semaphore_mem>> -> memref<!tpu.dma_semaphore, #tpu.memory_space<semaphore_mem>>
    %dma_wait3A_234 = tpu.memref_slice %arg3[%select_n3A, %add3A_132] : memref<16x160000xf32, #tpu.memory_space<hbm>> -> memref<1x16000xf32, #tpu.memory_space<hbm>>
    %dma_wait3A_235 = tpu.memref_squeeze %dma_wait3A_234 : memref<1x16000xf32, #tpu.memory_space<hbm>> -> memref<16000xf32, #tpu.memory_space<hbm>>
    %dma_wait3A_236 = arith.constant 16000 : i32
    %dma_wait3A_237 = tpu.memref_slice %arg4[%dma_wait3A_236] : memref<80000xf32, #tpu.memory_space<vmem>> -> memref<16000xf32, #tpu.memory_space<vmem>>
    tpu.wait_dma2 semaphore(%dma_wait3A_233 : memref<!tpu.dma_semaphore, #tpu.memory_space<semaphore_mem>>) src(%dma_wait3A_237 : memref<16000xf32, #tpu.memory_space<vmem>>) dst(%dma_wait3A_235 : memref<16000xf32, #tpu.memory_space<hbm>>)
    %dma_wait3A_238 = arith.constant 2 : i32
    %dma_wait3A_239 = arith.constant 32000 : i32
    %dma_wait3A_240 = tpu.memref_slice %arg4[%dma_wait3A_239] : memref<80000xf32, #tpu.memory_space<vmem>> -> memref<16000xf32, #tpu.memory_space<vmem>>
    %dma_wait3A_241 = tpu.memref_slice %arg3[%select_n3A, %add3A_156] : memref<16x160000xf32, #tpu.memory_space<hbm>> -> memref<1x16000xf32, #tpu.memory_space<hbm>>
    %dma_wait3A_242 = tpu.memref_squeeze %dma_wait3A_241 : memref<1x16000xf32, #tpu.memory_space<hbm>> -> memref<16000xf32, #tpu.memory_space<hbm>>
    %dma_wait3A_243 = tpu.memref_slice %arg6[%dma_wait3A_238] : memref<5x!tpu.dma_semaphore, #tpu.memory_space<semaphore_mem>> -> memref<1x!tpu.dma_semaphore, #tpu.memory_space<semaphore_mem>>
    %dma_wait3A_244 = tpu.memref_squeeze %dma_wait3A_243 : memref<1x!tpu.dma_semaphore, #tpu.memory_space<semaphore_mem>> -> memref<!tpu.dma_semaphore, #tpu.memory_space<semaphore_mem>>
    %dma_wait3A_245 = tpu.memref_slice %arg3[%select_n3A, %add3A_156] : memref<16x160000xf32, #tpu.memory_space<hbm>> -> memref<1x16000xf32, #tpu.memory_space<hbm>>
    %dma_wait3A_246 = tpu.memref_squeeze %dma_wait3A_245 : memref<1x16000xf32, #tpu.memory_space<hbm>> -> memref<16000xf32, #tpu.memory_space<hbm>>
    %dma_wait3A_247 = arith.constant 32000 : i32
    %dma_wait3A_248 = tpu.memref_slice %arg4[%dma_wait3A_247] : memref<80000xf32, #tpu.memory_space<vmem>> -> memref<16000xf32, #tpu.memory_space<vmem>>
    tpu.wait_dma2 semaphore(%dma_wait3A_244 : memref<!tpu.dma_semaphore, #tpu.memory_space<semaphore_mem>>) src(%dma_wait3A_248 : memref<16000xf32, #tpu.memory_space<vmem>>) dst(%dma_wait3A_246 : memref<16000xf32, #tpu.memory_space<hbm>>)
    %dma_wait3A_249 = arith.constant 3 : i32
    %dma_wait3A_250 = arith.constant 48000 : i32
    %dma_wait3A_251 = tpu.memref_slice %arg4[%dma_wait3A_250] : memref<80000xf32, #tpu.memory_space<vmem>> -> memref<16000xf32, #tpu.memory_space<vmem>>
    %dma_wait3A_252 = tpu.memref_slice %arg3[%select_n3A, %add3A_180] : memref<16x160000xf32, #tpu.memory_space<hbm>> -> memref<1x16000xf32, #tpu.memory_space<hbm>>
    %dma_wait3A_253 = tpu.memref_squeeze %dma_wait3A_252 : memref<1x16000xf32, #tpu.memory_space<hbm>> -> memref<16000xf32, #tpu.memory_space<hbm>>
    %dma_wait3A_254 = tpu.memref_slice %arg6[%dma_wait3A_249] : memref<5x!tpu.dma_semaphore, #tpu.memory_space<semaphore_mem>> -> memref<1x!tpu.dma_semaphore, #tpu.memory_space<semaphore_mem>>
    %dma_wait3A_255 = tpu.memref_squeeze %dma_wait3A_254 : memref<1x!tpu.dma_semaphore, #tpu.memory_space<semaphore_mem>> -> memref<!tpu.dma_semaphore, #tpu.memory_space<semaphore_mem>>
    %dma_wait3A_256 = tpu.memref_slice %arg3[%select_n3A, %add3A_180] : memref<16x160000xf32, #tpu.memory_space<hbm>> -> memref<1x16000xf32, #tpu.memory_space<hbm>>
    %dma_wait3A_257 = tpu.memref_squeeze %dma_wait3A_256 : memref<1x16000xf32, #tpu.memory_space<hbm>> -> memref<16000xf32, #tpu.memory_space<hbm>>
    %dma_wait3A_258 = arith.constant 48000 : i32
    %dma_wait3A_259 = tpu.memref_slice %arg4[%dma_wait3A_258] : memref<80000xf32, #tpu.memory_space<vmem>> -> memref<16000xf32, #tpu.memory_space<vmem>>
    tpu.wait_dma2 semaphore(%dma_wait3A_255 : memref<!tpu.dma_semaphore, #tpu.memory_space<semaphore_mem>>) src(%dma_wait3A_259 : memref<16000xf32, #tpu.memory_space<vmem>>) dst(%dma_wait3A_257 : memref<16000xf32, #tpu.memory_space<hbm>>)
    %dma_wait3A_260 = arith.constant 4 : i32
    %dma_wait3A_261 = arith.constant 64000 : i32
    %dma_wait3A_262 = tpu.memref_slice %arg4[%dma_wait3A_261] : memref<80000xf32, #tpu.memory_space<vmem>> -> memref<16000xf32, #tpu.memory_space<vmem>>
    %dma_wait3A_263 = tpu.memref_slice %arg3[%select_n3A, %add3A_204] : memref<16x160000xf32, #tpu.memory_space<hbm>> -> memref<1x16000xf32, #tpu.memory_space<hbm>>
    %dma_wait3A_264 = tpu.memref_squeeze %dma_wait3A_263 : memref<1x16000xf32, #tpu.memory_space<hbm>> -> memref<16000xf32, #tpu.memory_space<hbm>>
    %dma_wait3A_265 = tpu.memref_slice %arg6[%dma_wait3A_260] : memref<5x!tpu.dma_semaphore, #tpu.memory_space<semaphore_mem>> -> memref<1x!tpu.dma_semaphore, #tpu.memory_space<semaphore_mem>>
    %dma_wait3A_266 = tpu.memref_squeeze %dma_wait3A_265 : memref<1x!tpu.dma_semaphore, #tpu.memory_space<semaphore_mem>> -> memref<!tpu.dma_semaphore, #tpu.memory_space<semaphore_mem>>
    %dma_wait3A_267 = tpu.memref_slice %arg3[%select_n3A, %add3A_204] : memref<16x160000xf32, #tpu.memory_space<hbm>> -> memref<1x16000xf32, #tpu.memory_space<hbm>>
    %dma_wait3A_268 = tpu.memref_squeeze %dma_wait3A_267 : memref<1x16000xf32, #tpu.memory_space<hbm>> -> memref<16000xf32, #tpu.memory_space<hbm>>
    %dma_wait3A_269 = arith.constant 64000 : i32
    %dma_wait3A_270 = tpu.memref_slice %arg4[%dma_wait3A_269] : memref<80000xf32, #tpu.memory_space<vmem>> -> memref<16000xf32, #tpu.memory_space<vmem>>
    tpu.wait_dma2 semaphore(%dma_wait3A_266 : memref<!tpu.dma_semaphore, #tpu.memory_space<semaphore_mem>>) src(%dma_wait3A_270 : memref<16000xf32, #tpu.memory_space<vmem>>) dst(%dma_wait3A_268 : memref<16000xf32, #tpu.memory_space<hbm>>)
    return
  }
}

</mosaic_0001>

<sc_bundles>
// kernel: kernel.3.cloned.1.call-start
scs
__scs_entry_jumppad:
0x0: {  	(pc) =	sbr.rel $0x88, $3  }
0x1: {  	(tag) =	ssettag $0x0;
	lr =	simm.s32 $0x1  }
0x2: {  	[smem:$0x3FA0] =	sst lr;
	_ =	strace $0xD0000000  }
0x3: {  	_ = 	snop  }
0x4: {  	_ = 	snop  }
0x5: {  	_ = 	snop  }
0x6: {  	_ = 	snop  }
0x7: {  	_ = 	snop  }
__scs_overlays_trampoline_lowered:
0x8: {  	[smem:$0x3FAF] =	sst s0  }
0x9: {  	[smem:$0x3FB0] =	sst s1  }
0xa: {  	[smem:$0x3FB1] =	sst s2  }
0xb: {  	[smem:$0x3FB2] =	sst s3  }
0xc: {  	[smem:$0x3FB3] =	sst s4  }
0xd: {  	[smem:$0x3FB4] =	sst s5  }
0xe: {  	[smem:$0x3FB5] =	sst s6  }
0xf: {  	[smem:$0x3FB6] =	sst s7  }
0x10: {  	[smem:$0x3FB7] =	sst s8  }
0x11: {  	[smem:$0x3FB8] =	sst s9;
	s0 =	simm.s32 @!p0 $0x0  }
0x12: {  	s1 =	sld [smem:$0x3F9E];
	s0 =	simm.s32 @p0 $0x1  }
0x13: {  	[smem:$0x3FB9] =	sst s0;
	s0 =	simm.s32 @!p1 $0x0  }
0x14: {  	s2 =	sld [smem:$0x3F9D];
	s0 =	simm.s32 @p1 $0x1  }
0x15: {  	[smem:$0x3FBA] =	sst s0;
	s0 =	simm.s32 @!p2 $0x0  }
0x16: {  	s3 =	sld [smem:$0x3FDB];
	s0 =	simm.s32 @p2 $0x1  }
0x17: {  	s4 =	simm.s32 $0x1BF5;
	[smem:$0x3FBC] =	sst s0  }
0x18: {  	s0 =	sld [smem:$0x3F9F];
	_ =	swait.ge [sflag:s4], $0x0  }
0x19: {  	s7 =	sld [smem:$0x3FA0]  }
0x1a: {  	s8 =	sadd.s32 $0xFFFFE003, lr  }
0x1b: {  	s9 =	sadd.s32 $0xFFFFFEF7, lr;
	s5 =	simm.s32 $0xFFFFFFFF;
	p2 =	slt.u32 s8, $0xFFFFF086  }
0x1c: {  	p1 =	slt.u32 s9, $0xF7A;
	s5 =	simm.s32 @!p2 $0x0  }
0x1d: {  	s5 =	simm.s32 @p1 $0x1;
	p0 =	seq.s32 s7, s2  }
0x1e: {  	s7 =	smul.u32 @!p0 $0xF7A, s2;
	p2 =	seq.s32 @!p0 s5, $0x0  }
0x1f: {  	s9 =	smul.u32 $0xF7A, s1;
	s8 =	simm.s32 @!p0 $0x1BF5;
	p2 =	por !p2, p0  }
0x20: {  	[sflag:s8] =	ssyncset.s32 @!p0 $0xFFFFF086;
	s6 =	sadd.s32 @!p0 s3, s7;
	s7 =	simm.s32 @!p0 $0x108  }
0x21: {  	s3 =	sadd.s32 s3, s9;
	s6 =	sadd.s32 @!p0 $0x88, s6;
	s7 =	simm.s32 @p2 $0x1082  }
0x22: {  	[simem:s7], [sflag:s8] =	dma.local @!p0 [hbm:s6], $0xF7A  }
0x23: {  	s9 =	sor.u32 $0xD0000000, s2;
	s6 =	simm.s32 $0x108;
	_ =	swait.ge @!p0 [sflag:s8], $0x0  }
0x24: {  	s3 =	sadd.s32 $0x88, s3;
	s6 =	simm.s32 @!p1 $0x1082;
	[sflag:s4] =	ssyncset.s32 $0xFFFFF086  }
0x25: {  	[simem:s6], [sflag:s4] =	dma.local [hbm:s3], $0xF7A  }
0x26: {  	[smem:$0x3FA0] =	sst s1;
	(tag) =	ssettag s2;
	_ =	strace s9  }
0x27: {  	s1 =	sld [smem:$0x3FB0]  }
0x28: {  	s2 =	sld [smem:$0x3FB1]  }
0x29: {  	s4 =	sld [smem:$0x3FB3]  }
0x2a: {  	p0 =	seq.s32 s5, $0x0;
	s5 =	sld [smem:$0x3FB4]  }
0x2b: {  	s6 =	sld [smem:$0x3FB5]  }
0x2c: {  	s7 =	sld [smem:$0x3FB6]  }
0x2d: {  	s3 =	simm.s32 $0x108;
	s8 =	sld [smem:$0x3FB7]  }
0x2e: {  	s3 =	simm.s32 @!p0 $0x1082;
	s9 =	sld [smem:$0x3FB8]  }
0x2f: {  	lr =	sadd.s32 s0, s3;
	s0 =	sld [smem:$0x3FAF]  }
0x30: {  	s3 =	sld [smem:$0x3FB2]  }
0x31: {  	[smem:$0x3FBB] =	sst s10  }
0x32: {  	s10 =	sld [smem:$0x3FB9];
	_ =	sdelay $0x3  }
0x33: {  	p0 =	seq.s32 s10, $0x1;
	s10 =	sld [smem:$0x3FBB];
	_ =	sdelay $0x3  }
0x34: {  	[smem:$0x3FBB] =	sst s10  }
0x35: {  	s10 =	sld [smem:$0x3FBA];
	_ =	sdelay $0x3  }
0x36: {  	p1 =	seq.s32 s10, $0x1;
	s10 =	sld [smem:$0x3FBB];
	_ =	sdelay $0x3  }
0x37: {  	[smem:$0x3FBB] =	sst s10  }
0x38: {  	s10 =	sld [smem:$0x3FBC]  }
0x39: {  	_ = 	snop;
	(pc) =	sbr.ind lr, $3  }
0x3a: {  	_ = 	snop  }
0x3b: {  	_ = 	snop  }
0x3c: {  	p2 =	seq.s32 s10, $0x1;
	s10 =	sld [smem:$0x3FBB]  }
0x3d: {  	_ =	shalt  }
0x3e: {  	_ =	shalt  }
0x3f: {  	_ =	shalt  }
0x40: {  	_ =	shalt  }
0x41: {  	_ =	shalt  }
0x42: {  	_ =	shalt  }
0x43: {  	_ =	shalt  }
0x44: {  	_ =	shalt  }
0x45: {  	_ =	shalt  }
0x46: {  	_ =	shalt  }
0x47: {  	_ =	shalt  }
0x48: {  	_ =	shalt  }
0x49: {  	_ =	shalt  }
0x4a: {  	_ =	shalt  }
0x4b: {  	_ =	shalt  }
0x4c: {  	_ =	shalt  }
0x4d: {  	_ =	shalt  }
0x4e: {  	_ =	shalt  }
0x4f: {  	_ =	shalt  }
0x50: {  	_ =	shalt  }
0x51: {  	_ =	shalt  }
0x52: {  	_ =	shalt  }
0x53: {  	_ =	shalt  }
0x54: {  	_ =	shalt  }
0x55: {  	_ =	shalt  }
0x56: {  	_ =	shalt  }
0x57: {  	_ =	shalt  }
0x58: {  	_ =	shalt  }
0x59: {  	_ =	shalt  }
0x5a: {  	_ =	shalt  }
0x5b: {  	_ =	shalt  }
0x5c: {  	_ =	shalt  }
0x5d: {  	_ =	shalt  }
0x5e: {  	_ =	shalt  }
0x5f: {  	_ =	shalt  }
0x60: {  	_ =	shalt  }
0x61: {  	_ =	shalt  }
0x62: {  	_ =	shalt  }
0x63: {  	_ =	shalt  }
0x64: {  	_ =	shalt  }
0x65: {  	_ =	shalt  }
0x66: {  	_ =	shalt  }
0x67: {  	_ =	shalt  }
0x68: {  	_ =	shalt  }
0x69: {  	_ =	shalt  }
0x6a: {  	_ =	shalt  }
0x6b: {  	_ =	shalt  }
0x6c: {  	_ =	shalt  }
0x6d: {  	_ =	shalt  }
0x6e: {  	_ =	shalt  }
0x6f: {  	_ =	shalt  }
0x70: {  	_ =	shalt  }
0x71: {  	_ =	shalt  }
0x72: {  	_ =	shalt  }
0x73: {  	_ =	shalt  }
0x74: {  	_ =	shalt  }
0x75: {  	_ =	shalt  }
0x76: {  	_ =	shalt  }
0x77: {  	_ =	shalt  }
0x78: {  	_ =	shalt  }
0x79: {  	_ =	shalt  }
0x7a: {  	_ =	shalt  }
0x7b: {  	_ =	shalt  }
0x7c: {  	_ =	shalt  }
0x7d: {  	_ =	shalt  }
0x7e: {  	_ =	shalt  }
0x7f: {  	_ =	shalt  }
0x80: {  	_ =	shalt  }
0x81: {  	_ =	shalt  }
0x82: {  	_ =	shalt  }
0x83: {  	_ =	shalt  }
0x84: {  	_ =	shalt  }
0x85: {  	_ =	shalt  }
0x86: {  	_ =	shalt  }
0x87: {  	_ =	shalt  }
.Lfunc_end0:
.L_simem_size_0:
called_computation_lowered:
.L_overlay_start_0:
0x88: {  	s2 =	sld [smem:$0x3FD9]  }
0x89: {  	s3 =	sld [smem:$0x3FFE];
	_ =	sdelay $0x1  }
0x8a: {  	s1 =	srdreg.scid  }
0x8b: {  	s0 =	sand.u32 $0x1, s1  }
0x8c: {  	s18 =	sshll.u32 s0, $0xA;
	s2 =	sadd.s32 s3, s2  }
0x8d: {  	s2 =	sadd.s32 s2, s18  }
0x8e: {  	[smem:$0x3FC7] =	sst s2  }
0x8f: {  	_ = 	snop  }
0x90: {  	s2 =	sld [smem:$0x3FC9]  }
0x91: {  	s19 =	sld [smem:$0x3FD0];
	(tm) =	ssettm $0x1  }
0x92: {  	s4 =	sld [smem:$0x3FFB];
	_ =	sdelay $0x3  }
0x93: {  	_ =	strace s4  }
0x94: {  	s4 =	sld [smem:$0x3FFC];
	_ =	sdelay $0x3  }
0x95: {  	_ =	strace s4  }
0x96: {  	s4 =	sld [smem:$0x3FFD];
	_ =	sdelay $0x3  }
0x97: {  	_ =	strace s4  }
0x98: {  	_ =	strace $0x8FFFFFFF  }
0x99: {  	s20 =	sld [smem:$0x3FDB];
	_ =	sdelay $0x1  }
0x9a: {  	s5 =	simm.s32 $_scs_section_size  }
0x9b: {  	s6 =	simm.s32 $_size__tile_overlayer_lowered;
	s7 =	simm.s32 $_tile_overlayer_lowered  }
0x9c: {  	s23 =	simm.s32 $0x1BFF;
	s22 =	sshll.u32 s7, $0x1;
	s4 =	sadd.s32 s5, s20  }
0x9d: {  	s8 =	simm.s32 $0x0;
	s21 =	sshll.u32 s6, $0x1;
	s6 =	sadd.s32 s22, s4  }
0x9e: {  	[timem:s8], [sflag:s23] =	dma.local [hbm:s6], s21  }
0x9f: {  	_ =	swait.ge [sflag:s23], s21  }
0xa0: {  	s5 =	ssub.s32 $0x0, s21;
	[sflag:s23] =	ssyncset.done $0x0  }
0xa1: {  	[sflag:s23] =	ssyncadd.s32 s5;
	_ =	sdelay $0x1  }
0xa2: {  	s24 =	simm.s32 $0x1B8B  }
0xa3: {  	_ =	swait.ge [sflag:s24], $0x1  }
0xa4: {  	[sflag:s24] =	ssyncset.done $0x0  }
0xa5: {  	s25 =	simm.s32 $0x1B8E;
	[sflag:s24] =	ssyncadd.s32 $0xFFFFFFFF  }
0xa6: {  	s26 =	simm.s32 $execute0_lowered;
	[smem:$0x3FD2] =	sst s25  }
0xa7: {  	s5 =	sshll.u32 s26, $0x1;
	_ =	strace $0x80000046;
	[dreg:$0x1] =	wrdreg $0xFFFFFFFF  }
0xa8: {  	s28 =	simm.s32 $_size_execute0_lowered;
	s4 =	sadd.s32 s4, s5;
	[dreg:$0x0] =	wrdreg $0x0  }
0xa9: {  	s5 =	sshll.u32 s28, $0x1;
	[dreg:$0x2] =	wrdreg s4  }
0xaa: {  	[dreg:$0x3] =	wrdreg s5  }
0xab: {  	[dreg:$0x4] =	wrdreg $0xC0  }
0xac: {  	_ =	task [dreg:s8], $0x5FFFF  }
0xad: {  	[dreg:$0x1] =	wrdreg $0xFFFFFFFF  }
0xae: {  	[dreg:$0x0] =	wrdreg $0x60  }
0xaf: {  	[dreg:$0x2] =	wrdreg s2  }
0xb0: {  	[dreg:$0x3] =	wrdreg s19  }
0xb1: {  	[dreg:$0x4] =	wrdreg $0x9  }
0xb2: {  	_ =	task.clear_ibuf [dreg:s8], $0x5FFFF;
	_ =	strace $0x90000046  }
0xb3: {  	s29 =	simm.s32 $0x9;
	_ =	strace $0x80000048  }
0xb4: {  	_ =	swait.ge [sflag:s29], $0x1  }
0xb5: {  	[sflag:s29] =	ssyncadd.s32 $0xFFFFFFFF  }
0xb6: {  	_ =	strace $0x90000048  }
0xb7: {  	_ =	sfence  }
0xb8: {  	s30 =	sld [smem:$0x0];
	_ =	sdelay $0x2  }
0xb9: {  	s31 =	sshll.u32 s1, $0xD;
	s1 =	sshrl.u32 s1, $0x2  }
0xba: {  	s3 =	sand.u32 $0x4000, s31;
	s1 =	sadd.s32 s1, s30  }
0xbb: {  	s0 =	sor.u32 s3, s0;
	s1 =	sshll.u32 s1, $0x11  }
0xbc: {  	s0 =	sor.u32 s1, s0  }
0xbd: {  	s0 =	sadd.s32 $0x8F2B, s0  }
0xbe: {  	[sflag:s0] =	ssyncadd.remote.s32 $0x1  }
0xbf: {  	_ =	sfence.sel $0xFFFF  }
0xc0: {  	[dreg:$0x0] =	wrdreg $0xFFFFFFFF;
	(pc) =	sbr.abs _section_cstart, $3  }
0xc1: {  	[dreg:$0x1] =	wrdreg $0xFFFFFFFF  }
0xc2: {  	_ =	task.clear_ibuf [dreg:s8], $0x2FFFF;
	_ =	strace $0x9FFFFFFF  }
0xc3: {  	(tm) =	ssettm $0x7FFFFFFF  }
tec
execute0_lowered:
.L_overlay_start_1:
0x0: {  	(tag) =	ssettag $0x1  }
0x1: {  	s1 =	srdreg.scid  }
0x2: {  	s0 =	stileid.u32;
	s28 =	sand.u32 $0x1, s1  }
0x3: {  	s1 =	sor.u32 s28, s0  }
0x4: {  	p1 =	seq.s32 s28, $0x1;
	p0 =	seq.s32 s1, $0x0  }
0x5: {  	p0 =	por !p0, !p1  }
0x6: {  	s1 =	simm.s32 $0x1;
	p0 =	por !p0, !p0  }
0x7: {  	s1 =	simm.s32 @!p0 $0x0  }
0x8: {  	s1 =	ssub.s32 s0, s1  }
0x9: {  	s13 =	rddreg [dreg:$0x0];
	s2 =	sshrl.u32 s1, $0x3  }
0xa: {  	s3 =	simm.s32 $0x9C400;
	s23 =	rddreg [dreg:$0x1];
	s2 =	smul.u32 $0x138800, s2  }
0xb: {  	s6 =	simm.s32 $0x400;
	s3 =	simm.s32 @!p1 $0x0;
	s1 =	sshll.u32 s1, $0x7  }
0xc: {  	s4 =	sand.u32 $0x380, s1;
	s3 =	sadd.s32 s3, s2;
	s2 =	simm.s32 $0x0  }
0xd: {  	s8 =	simm.s32 $0x3E80;
	s9 =	sor.u32 s4, s3;
	[smem:$0x7FF] =	sst s2  }
0xe: {  	s1 =	rddreg [dreg:$0x2];
	s3 =	sadd.s32 $0x1F400, s9;
	_ =	strace $0x80000047  }
0xf: {  	s15 =	sshrl.u32 s9, $0x3;
	s5 =	sadd.s32 $0x3E800, s9;
	s17 =	sshrl.u32 s3, $0x3  }
0x10: {  	s3 =	sadd.s32 s13, s15;
	s19 =	sshrl.u32 s5, $0x3;
	s5 =	simm.s32 $0x80  }
0x11: {  	[tilespmem:s2], [sflag:$0x1] =	stream.strided.gather [hbm4b:s3+s5], $0x3E80, s6, s5, $0x38;
	[tilespmem:$0x13880] =	vst v63  }
0x12: {  	s10 =	sadd.s32 $0x5DC00, s9;
	s11 =	sadd.s32 $0x7D000, s9;
	s4 =	sadd.s32 s13, s17  }
0x13: {  	[tilespmem:s8], [sflag:$0x2] =	stream.strided.gather [hbm4b:s4+s5], $0x3E80, s6, s5, $0x38;
	[tilespmem:$0x13880] =	vst v63  }
0x14: {  	s9 =	simm.s32 $0x7D00;
	s21 =	sshrl.u32 s10, $0x3;
	s7 =	sadd.s32 s13, s19  }
0x15: {  	[tilespmem:s9], [sflag:$0x3] =	stream.strided.gather [hbm4b:s7+s5], $0x3E80, s6, s5, $0x38;
	[tilespmem:$0x13880] =	vst v63  }
0x16: {  	s24 =	sshrl.u32 s11, $0x3;
	s11 =	simm.s32 $0xBB80;
	s10 =	sadd.s32 s13, s21  }
0x17: {  	[tilespmem:s11], [sflag:$0x4] =	stream.strided.gather [hbm4b:s10+s5], $0x3E80, s6, s5, $0x38;
	[tilespmem:$0x13880] =	vst v63  }
0x18: {  	s12 =	simm.s32 $0x1;
	s14 =	simm.s32 $0xFA00;
	s13 =	sadd.s32 s13, s24  }
0x19: {  	[tilespmem:s14], [sflag:$0x5] =	stream.strided.gather [hbm4b:s13+s5], $0x3E80, s6, s5, $0x38;
	[tilespmem:$0x13880] =	vst v63  }
0x1a: {  	_ =	swait.ge [sflag:s12], $0x3E80  }
0x1b: {  	[sflag:s12] =	ssyncset.done $0x0  }
0x1c: {  	s16 =	simm.s32 $0x2;
	s15 =	sadd.s32 s23, s15;
	[sflag:s12] =	ssyncadd.s32 $0xFFFFC180  }
0x1d: {  	[hbm4b:s15+s5] =	stream.strided.scatter [tilespmem:s2], [sflag:$0x6], $0x3E80, s6, s5, $0x38;
	[tilespmem:$0x13880] =	vst v63  }
0x1e: {  	_ =	swait.ge [sflag:s16], $0x3E80  }
0x1f: {  	[sflag:s16] =	ssyncset.done $0x0  }
0x20: {  	s18 =	simm.s32 $0x3;
	s17 =	sadd.s32 s23, s17;
	[sflag:s16] =	ssyncadd.s32 $0xFFFFC180  }
0x21: {  	[hbm4b:s17+s5] =	stream.strided.scatter [tilespmem:s8], [sflag:$0x7], $0x3E80, s6, s5, $0x38;
	[tilespmem:$0x13880] =	vst v63  }
0x22: {  	_ =	swait.ge [sflag:s18], $0x3E80  }
0x23: {  	[sflag:s18] =	ssyncset.done $0x0  }
0x24: {  	s20 =	simm.s32 $0x4;
	s19 =	sadd.s32 s23, s19;
	[sflag:s18] =	ssyncadd.s32 $0xFFFFC180  }
0x25: {  	[hbm4b:s19+s5] =	stream.strided.scatter [tilespmem:s9], [sflag:$0x8], $0x3E80, s6, s5, $0x38;
	[tilespmem:$0x13880] =	vst v63  }
0x26: {  	_ =	swait.ge [sflag:s20], $0x3E80  }
0x27: {  	[sflag:s20] =	ssyncset.done $0x0  }
0x28: {  	s22 =	simm.s32 $0x5;
	s21 =	sadd.s32 s23, s21;
	[sflag:s20] =	ssyncadd.s32 $0xFFFFC180  }
0x29: {  	[hbm4b:s21+s5] =	stream.strided.scatter [tilespmem:s11], [sflag:$0x9], $0x3E80, s6, s5, $0x38;
	[tilespmem:$0x13880] =	vst v63  }
0x2a: {  	_ =	swait.ge [sflag:s22], $0x3E80  }
0x2b: {  	[sflag:s22] =	ssyncset.done $0x0  }
0x2c: {  	s23 =	sadd.s32 s23, s24;
	s24 =	simm.s32 $0x6;
	[sflag:s22] =	ssyncadd.s32 $0xFFFFC180  }
0x2d: {  	[hbm4b:s23+s5] =	stream.strided.scatter [tilespmem:s14], [sflag:$0xA], $0x3E80, s6, s5, $0x38;
	[tilespmem:$0x13880] =	vst v63  }
0x2e: {  	_ =	swait.ge [sflag:s24], $0x3E80  }
0x2f: {  	[sflag:s24] =	ssyncset.done $0x0  }
0x30: {  	s25 =	simm.s32 $0x7;
	[sflag:s24] =	ssyncadd.s32 $0xFFFFC180  }
0x31: {  	_ =	swait.ge [sflag:s25], $0x3E80  }
0x32: {  	s29 =	ssub.s32 $0x2, s28;
	[sflag:s25] =	ssyncset.done $0x0  }
0x33: {  	s26 =	simm.s32 $0x8;
	s30 =	sshrl.u32 s29, $0x1;
	[sflag:s25] =	ssyncadd.s32 $0xFFFFC180  }
0x34: {  	s29 =	ssub.s32 s29, s30;
	_ =	swait.ge [sflag:s26], $0x3E80  }
0x35: {  	s30 =	smax.u32 s29, $0x1;
	[sflag:s26] =	ssyncset.done $0x0  }
0x36: {  	s28 =	simm.s32 $0x9;
	p0 =	sne.s32 s30, $0x1;
	[sflag:s26] =	ssyncadd.s32 $0xFFFFC180  }
.Ltmp0:
0x37: {  	_ =	swait.ge [sflag:s28], $0x3E80;
	(pc) =	sbr.rel @!p0 .LBB2_2-.Ltmp0, $4  }
0x38: {  	[sflag:s28] =	ssyncset.done $0x0  }
0x39: {  	s29 =	simm.s32 $0xA;
	[sflag:s28] =	ssyncadd.s32 $0xFFFFC180  }
0x3a: {  	_ =	swait.ge [sflag:s29], $0x3E80  }
0x3b: {  	s30 =	sadd.s32 $0xFFFFFFFF, s30;
	[sflag:s29] =	ssyncset.done $0x0  }
.LBB2_1:
0x3c: {  	p0 =	sne.s32 s30, $0x1;
	s30 =	sadd.s32 $0xFFFFFFFF, s30;
	[sflag:s29] =	ssyncadd.s32 $0xFFFFC180  }
0x3d: {  	[tilespmem:s2], [sflag:$0x1] =	stream.strided.gather [hbm4b:s3+s5], $0x3E80, s6, s5, $0x38;
	[tilespmem:$0x13880] =	vst v63  }
0x3e: {  	_ = 	snop  }
0x3f: {  	[tilespmem:s8], [sflag:$0x2] =	stream.strided.gather [hbm4b:s4+s5], $0x3E80, s6, s5, $0x38;
	[tilespmem:$0x13880] =	vst v63  }
0x40: {  	_ = 	snop  }
0x41: {  	[tilespmem:s9], [sflag:$0x3] =	stream.strided.gather [hbm4b:s7+s5], $0x3E80, s6, s5, $0x38;
	[tilespmem:$0x13880] =	vst v63  }
0x42: {  	_ = 	snop  }
0x43: {  	[tilespmem:s11], [sflag:$0x4] =	stream.strided.gather [hbm4b:s10+s5], $0x3E80, s6, s5, $0x38;
	[tilespmem:$0x13880] =	vst v63  }
0x44: {  	_ = 	snop  }
0x45: {  	[tilespmem:s14], [sflag:$0x5] =	stream.strided.gather [hbm4b:s13+s5], $0x3E80, s6, s5, $0x38;
	[tilespmem:$0x13880] =	vst v63  }
0x46: {  	_ =	swait.ge [sflag:s12], $0x3E80  }
0x47: {  	[sflag:s12] =	ssyncset.done $0x0  }
0x48: {  	[sflag:s12] =	ssyncadd.s32 $0xFFFFC180  }
0x49: {  	[hbm4b:s15+s5] =	stream.strided.scatter [tilespmem:s2], [sflag:$0x6], $0x3E80, s6, s5, $0x38;
	[tilespmem:$0x13880] =	vst v63  }
0x4a: {  	_ =	swait.ge [sflag:s16], $0x3E80  }
0x4b: {  	[sflag:s16] =	ssyncset.done $0x0  }
0x4c: {  	[sflag:s16] =	ssyncadd.s32 $0xFFFFC180  }
0x4d: {  	[hbm4b:s17+s5] =	stream.strided.scatter [tilespmem:s8], [sflag:$0x7], $0x3E80, s6, s5, $0x38;
	[tilespmem:$0x13880] =	vst v63  }
0x4e: {  	_ =	swait.ge [sflag:s18], $0x3E80  }
0x4f: {  	[sflag:s18] =	ssyncset.done $0x0  }
0x50: {  	[sflag:s18] =	ssyncadd.s32 $0xFFFFC180  }
0x51: {  	[hbm4b:s19+s5] =	stream.strided.scatter [tilespmem:s9], [sflag:$0x8], $0x3E80, s6, s5, $0x38;
	[tilespmem:$0x13880] =	vst v63  }
0x52: {  	_ =	swait.ge [sflag:s20], $0x3E80  }
0x53: {  	[sflag:s20] =	ssyncset.done $0x0  }
0x54: {  	[sflag:s20] =	ssyncadd.s32 $0xFFFFC180  }
0x55: {  	[hbm4b:s21+s5] =	stream.strided.scatter [tilespmem:s11], [sflag:$0x9], $0x3E80, s6, s5, $0x38;
	[tilespmem:$0x13880] =	vst v63  }
0x56: {  	_ =	swait.ge [sflag:s22], $0x3E80  }
0x57: {  	[sflag:s22] =	ssyncset.done $0x0  }
0x58: {  	[sflag:s22] =	ssyncadd.s32 $0xFFFFC180  }
0x59: {  	[hbm4b:s23+s5] =	stream.strided.scatter [tilespmem:s14], [sflag:$0xA], $0x3E80, s6, s5, $0x38;
	[tilespmem:$0x13880] =	vst v63  }
0x5a: {  	_ =	swait.ge [sflag:s24], $0x3E80  }
0x5b: {  	[sflag:s24] =	ssyncset.done $0x0  }
0x5c: {  	[sflag:s24] =	ssyncadd.s32 $0xFFFFC180  }
0x5d: {  	_ =	swait.ge [sflag:s25], $0x3E80  }
0x5e: {  	[sflag:s25] =	ssyncset.done $0x0  }
0x5f: {  	[sflag:s25] =	ssyncadd.s32 $0xFFFFC180  }
0x60: {  	_ =	swait.ge [sflag:s26], $0x3E80  }
0x61: {  	[sflag:s26] =	ssyncset.done $0x0  }
0x62: {  	[sflag:s26] =	ssyncadd.s32 $0xFFFFC180  }
.Ltmp1:
0x63: {  	_ =	swait.ge [sflag:s28], $0x3E80;
	(pc) =	sbr.rel @p0 .LBB2_1-.Ltmp1, $4  }
0x64: {  	[sflag:s28] =	ssyncset.done $0x0  }
0x65: {  	[sflag:s28] =	ssyncadd.s32 $0xFFFFC180  }
0x66: {  	_ =	swait.ge [sflag:s29], $0x3E80  }
0x67: {  	[sflag:s29] =	ssyncset.done $0x0  }
.LBB2_2:
0x68: {  	[sflag:s29] =	ssyncadd.s32 $0xFFFFC180  }
0x69: {  	_ =	sfence.sel $0x180000  }
0x6a: {  	[bflag:$0x0] =	sbarrier.arrive $0xFFFF  }
0x6b: {  	p0 =	sne.s32 s0, $0x0;
	_ =	strace $0x90000047  }
0x6c: {  	s0 =	sadd.s32 @!p0 $0x100000, s1;
	[bflag:$0x2] =	sbarrier.arrive $0xFFFF  }
0x6d: {  	[sflag:s0] =	ssyncadd.tile.s32 @!p0 $0x1;
	_ =	shalt  }
.Lfunc_end2:
_tile_overlayer_lowered:
.L_overlay_start_2:
0x6e: {  	(tag) =	ssettag $0x2  }
0x6f: {  	s0 =	rddreg [dreg:$0x0];
	s2 =	stileid.u32  }
0x70: {  	s1 =	rddreg [dreg:$0x1];
	p0 =	sne.s32 s2, $0x0  }
0x71: {  	s3 =	rddreg [dreg:$0x2];
	[bflag:$0x3] =	sbarrier.arrive $0xFFFF;
	s2 =	simm.s32 @!p0 $0x1C0B  }
0x72: {  	[timem:s3], [sflag:s2] =	dma.local @!p0 [hbm:s0], s1  }
0x73: {  	s0 =	simm.s32 @!p0 $0xB  }
0x74: {  	_ =	swait.ge @!p0 [sflag:s0], s1  }
0x75: {  	s1 =	ssub.s32 @!p0 $0x0, s1;
	[sflag:s0] =	ssyncset.done @!p0 $0x0  }
0x76: {  	[sflag:s0] =	ssyncadd.s32 @!p0 s1  }
0x77: {  	[bflag:$0x3] =	sbarrier.arrive $0xFFFF  }
0x78: {  	_ =	shalt  }

</sc_bundles>
